<compile_context>
chip_gen: v7x
topology: tpu7x:2x2x1
jax: 0.10.2.dev20260603
libtpu: 0.0.44.dev20260713+nightly
codegen_flags: <defaults>
</compile_context>

<pallas_src>
import functools

import jax
import jax.numpy as jnp
from jax import lax
from jax.experimental import pallas as pl
from jax.experimental.pallas import tpu as pltpu
from jax.experimental.pallas import tpu_sc as plsc

BZ = 2048
IN_DIM = 768
HID = 400
ED = 64
NE = 1024

ED_PAD = 128

ENC_BLK = 1024
DEC_BLK = 1024


K_AUG = ED + 8


def _encoder_body(x_ref, w1_ref, b1_ref, w2_ref, b2_ref, emb_ref, idx_ref,
                  w1t_ref, w2t_ref, eaug_ref):
    @pl.when(pl.program_id(0) == 0)
    def _init():
        w1t_ref[...] = w1_ref[...].T
        w2t_ref[...] = w2_ref[...].T
        embt = emb_ref[...].T
        e2 = jnp.sum(embt * embt, axis=0, keepdims=True)
        eaug_ref[...] = jnp.concatenate(
            [-2.0 * embt, e2, jnp.zeros((K_AUG - ED - 1, NE), jnp.float32)],
            axis=0)

    x = x_ref[...]
    h1 = jnp.maximum(jnp.dot(x, w1t_ref[...]) + b1_ref[...][None, :], 0.0)
    z = jnp.dot(h1, w2t_ref[...]) + b2_ref[...][None, :]
    zaug = jnp.concatenate(
        [z, jnp.ones((ENC_BLK, 1), jnp.float32),
         jnp.zeros((ENC_BLK, K_AUG - ED - 1), jnp.float32)], axis=1)
    s = jnp.dot(zaug, eaug_ref[...], precision=lax.Precision.HIGHEST)
    m = jnp.min(s, axis=1, keepdims=True)
    ids = lax.broadcasted_iota(jnp.int32, s.shape, 1)
    cand = jnp.where(s == m, ids, NE)
    idx = jnp.min(cand, axis=1)
    idx_ref[...] = idx


def _decoder_body(zq_ref, w3_ref, b3_ref, w4_ref, b4_ref, out_ref,
                  w3t_ref, w4t_ref):
    @pl.when(pl.program_id(0) == 0)
    def _init():
        w3t_ref[...] = jnp.concatenate(
            [w3_ref[...].T, jnp.zeros((ED_PAD - ED, HID), jnp.float32)], axis=0)
        w4t_ref[...] = w4_ref[...].T

    h3 = jnp.maximum(jnp.dot(zq_ref[...], w3t_ref[...]) + b3_ref[...][None, :], 0.0)
    logits = jnp.dot(h3, w4t_ref[...]) + b4_ref[...][None, :]
    out_ref[...] = jax.nn.sigmoid(logits)


_N_ENC = BZ // ENC_BLK


def _encode_argmin(x, w1, b1, w2, b2, emb):
    idx3 = pl.pallas_call(
        _encoder_body,
        grid=(_N_ENC,),
        in_specs=[
            pl.BlockSpec((ENC_BLK, IN_DIM), lambda i: (i, 0)),
            pl.BlockSpec((HID, IN_DIM), lambda i: (0, 0)),
            pl.BlockSpec((HID,), lambda i: (0,)),
            pl.BlockSpec((ED, HID), lambda i: (0, 0)),
            pl.BlockSpec((ED,), lambda i: (0,)),
            pl.BlockSpec((NE, ED), lambda i: (0, 0)),
        ],
        out_specs=pl.BlockSpec((ENC_BLK,), lambda i: (i,)),
        out_shape=jax.ShapeDtypeStruct((BZ,), jnp.int32),
        scratch_shapes=[
            pltpu.VMEM((IN_DIM, HID), jnp.float32),
            pltpu.VMEM((HID, ED), jnp.float32),
            pltpu.VMEM((K_AUG, NE), jnp.float32),
        ],
    )(x, w1, b1, w2, b2, emb)
    return idx3


def _decode(zq, w3, b3, w4, b4):
    return pl.pallas_call(
        _decoder_body,
        grid=(BZ // DEC_BLK,),
        in_specs=[
            pl.BlockSpec((DEC_BLK, ED_PAD), lambda i: (i, 0)),
            pl.BlockSpec((HID, ED), lambda i: (0, 0)),
            pl.BlockSpec((HID,), lambda i: (0,)),
            pl.BlockSpec((IN_DIM, HID), lambda i: (0, 0)),
            pl.BlockSpec((IN_DIM,), lambda i: (0,)),
        ],
        out_specs=pl.BlockSpec((DEC_BLK, IN_DIM), lambda i: (i, 0)),
        out_shape=jax.ShapeDtypeStruct((BZ, IN_DIM), jnp.float32),
        scratch_shapes=[
            pltpu.VMEM((ED_PAD, HID), jnp.float32),
            pltpu.VMEM((HID, IN_DIM), jnp.float32),
        ],
    )(zq, w3, b3, w4, b4)


@functools.cache
def _make_sc_gather():
    info = plsc.get_sparse_core_info()
    nc, ns = info.num_cores, info.num_subcores
    nw = nc * ns
    b_per_w = BZ // nw
    mesh = plsc.VectorSubcoreMesh(core_axis_name="c", subcore_axis_name="s")

    @functools.partial(
        pl.kernel,
        mesh=mesh,
        out_type=jax.ShapeDtypeStruct((BZ, ED_PAD), jnp.float32),
        scratch_types=[
            pltpu.VMEM((b_per_w,), jnp.int32),
            pltpu.VMEM((b_per_w, ED_PAD), jnp.float32),
            pltpu.VMEM_SHARED((NE, ED_PAD), jnp.float32),
            pltpu.SemaphoreType.DMA,
        ],
    )
    def sc_gather(emb_hbm, idx_hbm, out_hbm, idx_v, rows_v, emb_sh, sem):
        wid = lax.axis_index("s") * nc + lax.axis_index("c")
        base = wid * b_per_w
        pltpu.sync_copy(idx_hbm.at[pl.ds(base, b_per_w)], idx_v)
        @pl.when(lax.axis_index("s") == 0)
        def _():
            pltpu.sync_copy(emb_hbm, emb_sh)
        plsc.subcore_barrier()
        pltpu.async_copy(emb_sh.at[idx_v], rows_v, sem).wait()
        pltpu.sync_copy(rows_v, out_hbm.at[pl.ds(base, b_per_w)])

    return sc_gather


def kernel(x, fc1_w, fc1_b, fc2_w, fc2_b, fc3_w, fc3_b, fc4_w, fc4_b, emb):
    idx = _encode_argmin(x, fc1_w, fc1_b, fc2_w, fc2_b, emb)
    emb_pad = jnp.pad(emb, ((0, 0), (0, ED_PAD - ED)))
    zq_pad = _make_sc_gather()(emb_pad, idx)
    return _decode(zq_pad, fc3_w, fc3_b, fc4_w, fc4_b)

# --- scband reference (transcript-rebuilt; emitter-appended) ---
"""Pipeline reference for scband-vqvae-82463372083811 (READ-ONLY COPY).

The authoritative reference and input builder live on the scoring server;
editing this copy changes nothing except your own understanding.
"""

import jax, jax.numpy as jnp
import numpy as np

INPUT_DIM = 768
EMBED_DIM = 64
EMBED_NUM = 1024
BZ = 2048


def _linear_params(kw, kb, out_f, in_f):
    bound = 1.0 / np.sqrt(in_f)
    W = jax.random.uniform(kw, (out_f, in_f), minval=-bound, maxval=bound, dtype=jnp.float32)
    b = jax.random.uniform(kb, (out_f,), minval=-bound, maxval=bound, dtype=jnp.float32)
    return W, b


def setup_inputs(seed: int = 0) -> dict:
    key = jax.random.key(seed)
    ks = jax.random.split(key, 10)
    x = jax.random.uniform(ks[0], (BZ, INPUT_DIM), dtype=jnp.float32)
    fc1_w, fc1_b = _linear_params(ks[1], ks[2], 400, INPUT_DIM)
    fc2_w, fc2_b = _linear_params(ks[3], ks[4], EMBED_DIM, 400)
    fc3_w, fc3_b = _linear_params(ks[5], ks[6], 400, EMBED_DIM)
    fc4_w, fc4_b = _linear_params(ks[7], ks[8], INPUT_DIM, 400)
    emb = jax.random.normal(ks[9], (EMBED_NUM, EMBED_DIM), dtype=jnp.float32)
    return {"x": x, "fc1_w": fc1_w, "fc1_b": fc1_b, "fc2_w": fc2_w, "fc2_b": fc2_b,
            "fc3_w": fc3_w, "fc3_b": fc3_b, "fc4_w": fc4_w, "fc4_b": fc4_b, "emb": emb}


def _vq(z_e, emb):
    # row_wise_distance: dist[i, j] = ||z_e[i] - emb[j]||^2
    dist = jnp.sum((z_e[:, None, :] - emb[None, :, :]) ** 2, axis=2)
    indices = jnp.argmin(dist, axis=-1)
    return jnp.take(emb, indices, axis=0)


def reference(x, fc1_w, fc1_b, fc2_w, fc2_b, fc3_w, fc3_b, fc4_w, fc4_b, emb):
    h1 = jax.nn.relu(x @ fc1_w.T + fc1_b)
    z_e = h1 @ fc2_w.T + fc2_b
    z_q = _vq(z_e, emb)
    h3 = jax.nn.relu(z_q @ fc3_w.T + fc3_b)
    x_reconst = jax.nn.sigmoid(h3 @ fc4_w.T + fc4_b)
    return x_reconst

if __name__ == "__main__":
    import jax
    _d = setup_inputs()
    print(jax.jit(kernel)(*tuple(_d.values())))

</pallas_src>

<mosaic_0001>
#map = affine_map<(d0, d1) -> (0, 0)>
#map1 = affine_map<(d0, d1) -> (0)>
module attributes {stable_mosaic.version = 14 : i64} {
  func.func @sc_gather(%arg0: i32, %arg1: i32, %arg2: memref<1024x128xf32, #tpu.memory_space<hbm>>, %arg3: memref<2048xi32, #tpu.memory_space<hbm>>, %arg4: memref<2048x128xf32, #tpu.memory_space<hbm>>, %arg5: memref<64xi32, #tpu.memory_space<vmem>>, %arg6: memref<64x128xf32, #tpu.memory_space<vmem>>, %arg7: memref<1024x128xf32, #tpu.memory_space<vmem_shared>>, %arg8: memref<!tpu.dma_semaphore, #tpu.memory_space<semaphore_mem>>) attributes {dimension_semantics = [#tpu.dimension_semantics<core_parallel>, #tpu.dimension_semantics<subcore_parallel>], iteration_bounds = array<i64: 2, 16>, scalar_prefetch = 0 : i64, scratch_operands = 4 : i64, tpu.core_type = #tpu.core_type<sc_vector_subcore>, window_params = [{transform_indices = #map}, {transform_indices = #map1}, {transform_indices = #map}]} {
    %mul3A = arith.constant 2 : i32
    %mul3A_0 = arith.muli %arg1, %mul3A : i32
    %add3A = arith.addi %mul3A_0, %arg0 : i32
    %mul3A_1 = arith.constant 64 : i32
    %mul3A_2 = arith.muli %add3A, %mul3A_1 : i32
    "tpu.region"() ({
      %run_scoped3A = tpu.sem_alloc : memref<!tpu.dma_semaphore, #tpu.memory_space<semaphore_mem>>
      %dma_start3A_9 = tpu.memref_slice %arg3[%mul3A_2] : memref<2048xi32, #tpu.memory_space<hbm>> -> memref<64xi32, #tpu.memory_space<hbm>>
      %dma_start3A_10 = tpu.memref_slice %arg3[%mul3A_2] : memref<2048xi32, #tpu.memory_space<hbm>> -> memref<64xi32, #tpu.memory_space<hbm>>
      tpu.enqueue_dma source(%dma_start3A_10 : memref<64xi32, #tpu.memory_space<hbm>>) target(%arg5 : memref<64xi32, #tpu.memory_space<vmem>>) target_semaphore(%run_scoped3A : memref<!tpu.dma_semaphore, #tpu.memory_space<semaphore_mem>>)
      %dma_wait3A_11 = tpu.memref_slice %arg3[%mul3A_2] : memref<2048xi32, #tpu.memory_space<hbm>> -> memref<64xi32, #tpu.memory_space<hbm>>
      %dma_wait3A_12 = tpu.memref_slice %arg3[%mul3A_2] : memref<2048xi32, #tpu.memory_space<hbm>> -> memref<64xi32, #tpu.memory_space<hbm>>
      tpu.wait_dma2 semaphore(%run_scoped3A : memref<!tpu.dma_semaphore, #tpu.memory_space<semaphore_mem>>) src(%dma_wait3A_12 : memref<64xi32, #tpu.memory_space<hbm>>) dst(%arg5 : memref<64xi32, #tpu.memory_space<vmem>>)
      tpu.yield
    }) : () -> ()
    %eq3A = arith.constant 0 : i32
    %eq3A_3 = arith.cmpi eq, %arg1, %eq3A : i32
    %convert_element_type3A = arith.extui %eq3A_3 : i1 to i32
    %cond3A = arith.constant 0 : i32
    %cond3A_4 = arith.cmpi ne, %convert_element_type3A, %cond3A : i32
    scf.if %cond3A_4 {
      "tpu.region"() ({
        %run_scoped3A = tpu.sem_alloc : memref<!tpu.dma_semaphore, #tpu.memory_space<semaphore_mem>>
        tpu.enqueue_dma source(%arg2 : memref<1024x128xf32, #tpu.memory_space<hbm>>) target(%arg7 : memref<1024x128xf32, #tpu.memory_space<vmem_shared>>) target_semaphore(%run_scoped3A : memref<!tpu.dma_semaphore, #tpu.memory_space<semaphore_mem>>)
        tpu.wait_dma2 semaphore(%run_scoped3A : memref<!tpu.dma_semaphore, #tpu.memory_space<semaphore_mem>>) src(%arg2 : memref<1024x128xf32, #tpu.memory_space<hbm>>) dst(%arg7 : memref<1024x128xf32, #tpu.memory_space<vmem_shared>>)
        tpu.yield
      }) : () -> ()
    } else {
    }
    %barrier3A = arith.constant 0 : index
    tpu.barrier barrier_id(%barrier3A)
    %dma_start3A = arith.constant 0 : i32
    %dma_start3A_5 = arith.constant 0 : i32
    %dma_start3A_6 = tpu.memref_slice %arg7[%dma_start3A, %dma_start3A_5] : memref<1024x128xf32, #tpu.memory_space<vmem_shared>> -> memref<1024x128xf32, #tpu.memory_space<vmem_shared>>
    tpu.enqueue_indirect_dma source(%dma_start3A_6 : memref<1024x128xf32, #tpu.memory_space<vmem_shared>>) target(%arg6 : memref<64x128xf32, #tpu.memory_space<vmem>>) offsets(%arg5 : memref<64xi32, #tpu.memory_space<vmem>>) semaphore(%arg8 : memref<!tpu.dma_semaphore, #tpu.memory_space<semaphore_mem>>)
    %dma_wait3A = arith.constant 0 : i32
    %dma_wait3A_7 = arith.constant 0 : i32
    %dma_wait3A_8 = tpu.memref_slice %arg7[%dma_wait3A, %dma_wait3A_7] : memref<1024x128xf32, #tpu.memory_space<vmem_shared>> -> memref<1024x128xf32, #tpu.memory_space<vmem_shared>>
    tpu.wait_indirect_dma semaphore(%arg8 : memref<!tpu.dma_semaphore, #tpu.memory_space<semaphore_mem>>) src(%dma_wait3A_8 : memref<1024x128xf32, #tpu.memory_space<vmem_shared>>) dst(%arg6 : memref<64x128xf32, #tpu.memory_space<vmem>>)
    "tpu.region"() ({
      %run_scoped3A = tpu.sem_alloc : memref<!tpu.dma_semaphore, #tpu.memory_space<semaphore_mem>>
      %dma_start3A_9 = arith.constant 0 : i32
      %dma_start3A_10 = tpu.memref_slice %arg4[%mul3A_2, %dma_start3A_9] : memref<2048x128xf32, #tpu.memory_space<hbm>> -> memref<64x128xf32, #tpu.memory_space<hbm>>
      %dma_start3A_11 = arith.constant 0 : i32
      %dma_start3A_12 = tpu.memref_slice %arg4[%mul3A_2, %dma_start3A_11] : memref<2048x128xf32, #tpu.memory_space<hbm>> -> memref<64x128xf32, #tpu.memory_space<hbm>>
      tpu.enqueue_dma source(%arg6 : memref<64x128xf32, #tpu.memory_space<vmem>>) target(%dma_start3A_12 : memref<64x128xf32, #tpu.memory_space<hbm>>) target_semaphore(%run_scoped3A : memref<!tpu.dma_semaphore, #tpu.memory_space<semaphore_mem>>)
      %dma_wait3A_13 = arith.constant 0 : i32
      %dma_wait3A_14 = tpu.memref_slice %arg4[%mul3A_2, %dma_wait3A_13] : memref<2048x128xf32, #tpu.memory_space<hbm>> -> memref<64x128xf32, #tpu.memory_space<hbm>>
      %dma_wait3A_15 = arith.constant 0 : i32
      %dma_wait3A_16 = tpu.memref_slice %arg4[%mul3A_2, %dma_wait3A_15] : memref<2048x128xf32, #tpu.memory_space<hbm>> -> memref<64x128xf32, #tpu.memory_space<hbm>>
      tpu.wait_dma2 semaphore(%run_scoped3A : memref<!tpu.dma_semaphore, #tpu.memory_space<semaphore_mem>>) src(%arg6 : memref<64x128xf32, #tpu.memory_space<vmem>>) dst(%dma_wait3A_16 : memref<64x128xf32, #tpu.memory_space<hbm>>)
      tpu.yield
    }) : () -> ()
    return
  }
}

module attributes {stable_mosaic.version = 14 : i64} {
  func.func @_encoder_body(%arg0: i32, %arg1: memref<1024x768xf32, #tpu.memory_space<vmem>>, %arg2: memref<400x768xf32, #tpu.memory_space<vmem>>, %arg3: memref<400xf32, #tpu.memory_space<vmem>>, %arg4: memref<64x400xf32, #tpu.memory_space<vmem>>, %arg5: memref<64xf32, #tpu.memory_space<vmem>>, %arg6: memref<1024x64xf32, #tpu.memory_space<vmem>>, %arg7: memref<1024xi32, #tpu.memory_space<vmem>>, %arg8: memref<768x400xf32, #tpu.memory_space<vmem>>, %arg9: memref<400x64xf32, #tpu.memory_space<vmem>>, %arg10: memref<72x1024xf32, #tpu.memory_space<vmem>>) attributes {dimension_semantics = [#tpu.dimension_semantics<arbitrary>], iteration_bounds = array<i64: 2>, scalar_prefetch = 0 : i64, scratch_operands = 3 : i64, tpu.core_type = #tpu.core_type<tc>, window_params = [{transform_indices = @transform_0, window_bounds = array<i64: 1024, 768>}, {pipeline_mode = #tpu.pipeline_mode<synchronous>, transform_indices = @transform_1, window_bounds = array<i64: 400, 768>}, {pipeline_mode = #tpu.pipeline_mode<synchronous>, transform_indices = @transform_2, window_bounds = array<i64: 400>}, {pipeline_mode = #tpu.pipeline_mode<synchronous>, transform_indices = @transform_3, window_bounds = array<i64: 64, 400>}, {pipeline_mode = #tpu.pipeline_mode<synchronous>, transform_indices = @transform_4, window_bounds = array<i64: 64>}, {pipeline_mode = #tpu.pipeline_mode<synchronous>, transform_indices = @transform_5, window_bounds = array<i64: 1024, 64>}, {transform_indices = @transform_6, window_bounds = array<i64: 1024>}]} {
    %eq3A = arith.constant 0 : i32
    %eq3A_0 = arith.cmpi eq, %arg0, %eq3A : i32
    %convert_element_type3A = arith.extui %eq3A_0 : i1 to i32
    %cond3A = arith.constant 0 : i32
    %cond3A_1 = arith.cmpi ne, %convert_element_type3A, %cond3A : i32
    scf.if %cond3A_1 {
      %get3A_40 = arith.constant 0 : index
      %get3A_41 = arith.constant 0 : index
      %get3A_42 = vector.load %arg2[%get3A_40, %get3A_41] : memref<400x768xf32, #tpu.memory_space<vmem>>, vector<400x768xf32>
      %transpose3A = tpu.transpose %get3A_42, [1, 0] : vector<400x768xf32> -> vector<768x400xf32>
      %swap3A_43 = arith.constant 0 : index
      %swap3A_44 = arith.constant 0 : index
      %swap3A_45 = vector.load %arg8[%swap3A_43, %swap3A_44] : memref<768x400xf32, #tpu.memory_space<vmem>>, vector<768x400xf32>
      tpu.vector_store %arg8[%swap3A_43, %swap3A_44], %transpose3A {strides = array<i32>} : memref<768x400xf32, #tpu.memory_space<vmem>>, vector<768x400xf32>,
      %get3A_46 = arith.constant 0 : index
      %get3A_47 = arith.constant 0 : index
      %get3A_48 = vector.load %arg4[%get3A_46, %get3A_47] : memref<64x400xf32, #tpu.memory_space<vmem>>, vector<64x400xf32>
      %transpose3A_49 = tpu.transpose %get3A_48, [1, 0] : vector<64x400xf32> -> vector<400x64xf32>
      %swap3A_50 = arith.constant 0 : index
      %swap3A_51 = arith.constant 0 : index
      %swap3A_52 = vector.load %arg9[%swap3A_50, %swap3A_51] : memref<400x64xf32, #tpu.memory_space<vmem>>, vector<400x64xf32>
      tpu.vector_store %arg9[%swap3A_50, %swap3A_51], %transpose3A_49 {strides = array<i32>} : memref<400x64xf32, #tpu.memory_space<vmem>>, vector<400x64xf32>,
      %get3A_53 = arith.constant 0 : index
      %get3A_54 = arith.constant 0 : index
      %get3A_55 = vector.load %arg6[%get3A_53, %get3A_54] : memref<1024x64xf32, #tpu.memory_space<vmem>>, vector<1024x64xf32>
      %transpose3A_56 = tpu.transpose %get3A_55, [1, 0] : vector<1024x64xf32> -> vector<64x1024xf32>
      %mul3A = arith.mulf %transpose3A_56, %transpose3A_56 : vector<64x1024xf32>
      %reduce_sum3A = arith.constant dense<0.000000e+00> : vector<1024xf32>
      %reduce_sum3A_57 = vector.multi_reduction <add>, %mul3A, %reduce_sum3A [0] : vector<64x1024xf32> to vector<1024xf32>
      %broadcast_in_dim3A_58 = vector.shape_cast %reduce_sum3A_57 : vector<1024xf32> to vector<1x1024xf32>
      %mul3A_59 = arith.constant -2.000000e+00 : f32
      %mul3A_60 = vector.broadcast %mul3A_59 : f32 to vector<64x1024xf32>
      %mul3A_61 = arith.mulf %mul3A_60, %transpose3A_56 : vector<64x1024xf32>
      %broadcast_in_dim3A_62 = arith.constant 0.000000e+00 : f32
      %broadcast_in_dim3A_63 = vector.broadcast %broadcast_in_dim3A_62 : f32 to vector<7x1024xf32>
      %concatenate3A_64 = tpu.concatenate %mul3A_61, %broadcast_in_dim3A_58, %broadcast_in_dim3A_63 in 0 : vector<64x1024xf32>, vector<1x1024xf32>, vector<7x1024xf32> -> vector<72x1024xf32>
      %swap3A_65 = arith.constant 0 : index
      %swap3A_66 = arith.constant 0 : index
      %swap3A_67 = vector.load %arg10[%swap3A_65, %swap3A_66] : memref<72x1024xf32, #tpu.memory_space<vmem>>, vector<72x1024xf32>
      tpu.vector_store %arg10[%swap3A_65, %swap3A_66], %concatenate3A_64 {strides = array<i32>} : memref<72x1024xf32, #tpu.memory_space<vmem>>, vector<72x1024xf32>,
    } else {
    }
    %get3A = arith.constant 0 : index
    %get3A_2 = arith.constant 0 : index
    %get3A_3 = vector.load %arg1[%get3A, %get3A_2] : memref<1024x768xf32, #tpu.memory_space<vmem>>, vector<1024x768xf32>
    %get3A_4 = arith.constant 0 : index
    %get3A_5 = arith.constant 0 : index
    %get3A_6 = vector.load %arg8[%get3A_4, %get3A_5] : memref<768x400xf32, #tpu.memory_space<vmem>>, vector<768x400xf32>
    %dot_general3A = arith.constant dense<0.000000e+00> : vector<1024x400xf32>
    %dot_general3A_7 = tpu.matmul %get3A_3, %get3A_6, %dot_general3A {dimension_numbers = #tpu.dot_dimension_numbers<[1], [0], [0], [1], [0, 0, 1, 1], [], []>, transpose_lhs_hint = false} : vector<1024x768xf32>, vector<768x400xf32>, vector<1024x400xf32> -> vector<1024x400xf32>
    %get3A_8 = arith.constant 0 : index
    %get3A_9 = vector.load %arg3[%get3A_8] : memref<400xf32, #tpu.memory_space<vmem>>, vector<400xf32>
    %broadcast_in_dim3A = vector.shape_cast %get3A_9 : vector<400xf32> to vector<1x400xf32>
    %add3A = vector.broadcast %broadcast_in_dim3A : vector<1x400xf32> to vector<1024x400xf32>
    %add3A_10 = arith.addf %dot_general3A_7, %add3A : vector<1024x400xf32>
    %max3A = arith.constant 0.000000e+00 : f32
    %max3A_11 = vector.broadcast %max3A : f32 to vector<1024x400xf32>
    %max3A_12 = arith.maximumf %add3A_10, %max3A_11 : vector<1024x400xf32>
    %get3A_13 = arith.constant 0 : index
    %get3A_14 = arith.constant 0 : index
    %get3A_15 = vector.load %arg9[%get3A_13, %get3A_14] : memref<400x64xf32, #tpu.memory_space<vmem>>, vector<400x64xf32>
    %dot_general3A_16 = arith.constant dense<0.000000e+00> : vector<1024x64xf32>
    %dot_general3A_17 = tpu.matmul %max3A_12, %get3A_15, %dot_general3A_16 {dimension_numbers = #tpu.dot_dimension_numbers<[1], [0], [0], [1], [0, 0, 1, 1], [], []>, transpose_lhs_hint = false} : vector<1024x400xf32>, vector<400x64xf32>, vector<1024x64xf32> -> vector<1024x64xf32>
    %get3A_18 = arith.constant 0 : index
    %get3A_19 = vector.load %arg5[%get3A_18] : memref<64xf32, #tpu.memory_space<vmem>>, vector<64xf32>
    %broadcast_in_dim3A_20 = vector.shape_cast %get3A_19 : vector<64xf32> to vector<1x64xf32>
    %add3A_21 = vector.broadcast %broadcast_in_dim3A_20 : vector<1x64xf32> to vector<1024x64xf32>
    %add3A_22 = arith.addf %dot_general3A_17, %add3A_21 : vector<1024x64xf32>
    %broadcast_in_dim3A_23 = arith.constant 1.000000e+00 : f32
    %broadcast_in_dim3A_24 = vector.broadcast %broadcast_in_dim3A_23 : f32 to vector<1024x1xf32>
    %broadcast_in_dim3A_25 = arith.constant 0.000000e+00 : f32
    %broadcast_in_dim3A_26 = vector.broadcast %broadcast_in_dim3A_25 : f32 to vector<1024x7xf32>
    %concatenate3A = tpu.concatenate %add3A_22, %broadcast_in_dim3A_24, %broadcast_in_dim3A_26 in 1 : vector<1024x64xf32>, vector<1024x1xf32>, vector<1024x7xf32> -> vector<1024x72xf32>
    %get3A_27 = arith.constant 0 : index
    %get3A_28 = arith.constant 0 : index
    %get3A_29 = vector.load %arg10[%get3A_27, %get3A_28] : memref<72x1024xf32, #tpu.memory_space<vmem>>, vector<72x1024xf32>
    %dot_general3A_30 = arith.constant dense<0.000000e+00> : vector<1024x1024xf32>
    %dot_general3A_31 = tpu.matmul %concatenate3A, %get3A_29, %dot_general3A_30 {dimension_numbers = #tpu.dot_dimension_numbers<[1], [0], [0], [1], [0, 0, 1, 1], [], []>, precision = #tpu.contract_precision<fp32>, transpose_lhs_hint = false} : vector<1024x72xf32>, vector<72x1024xf32>, vector<1024x1024xf32> -> vector<1024x1024xf32>
    %reduce_min3A = arith.constant dense<0x7F800000> : vector<1024xf32>
    %reduce_min3A_32 = vector.multi_reduction <minimumf>, %dot_general3A_31, %reduce_min3A [1] : vector<1024x1024xf32> to vector<1024xf32>
    %broadcast_in_dim3A_33 = vector.shape_cast %reduce_min3A_32 : vector<1024xf32> to vector<1024x1xf32>
    %iota3A = tpu.iota {dimensions = array<i32: 1>} : vector<1024x1024xi32>
    %eq3A_34 = vector.broadcast %broadcast_in_dim3A_33 : vector<1024x1xf32> to vector<1024x1024xf32>
    %eq3A_35 = arith.cmpf oeq, %dot_general3A_31, %eq3A_34 : vector<1024x1024xf32>
    %jit3A = arith.constant 1024 : i32
    %broadcast_in_dim3A_36 = vector.broadcast %jit3A : i32 to vector<1024x1024xi32>
    %select_n3A = arith.select %eq3A_35, %iota3A, %broadcast_in_dim3A_36 : vector<1024x1024xi1>, vector<1024x1024xi32>
    %reduce_min3A_37 = arith.constant dense<2147483647> : vector<1024xi32>
    %reduce_min3A_38 = vector.multi_reduction <minsi>, %select_n3A, %reduce_min3A_37 [1] : vector<1024x1024xi32> to vector<1024xi32>
    %swap3A = arith.constant 0 : index
    %swap3A_39 = vector.load %arg7[%swap3A] : memref<1024xi32, #tpu.memory_space<vmem>>, vector<1024xi32>
    tpu.vector_store %arg7[%swap3A], %reduce_min3A_38 {strides = array<i32>} : memref<1024xi32, #tpu.memory_space<vmem>>, vector<1024xi32>,
    return
  }
  func.func @transform_0(%arg0: i32) -> (i32, i32) {
    %c0_i32 = arith.constant 0 : i32
    %c0_i32_0 = arith.constant 0 : i32
    return %arg0, %c0_i32 : i32, i32
  }
  func.func @transform_1(%arg0: i32) -> (i32, i32) {
    %c0_i32 = arith.constant 0 : i32
    %c0_i32_0 = arith.constant 0 : i32
    %c0_i32_1 = arith.constant 0 : i32
    return %c0_i32, %c0_i32_0 : i32, i32
  }
  func.func @transform_2(%arg0: i32) -> i32 {
    %c0_i32 = arith.constant 0 : i32
    %c0_i32_0 = arith.constant 0 : i32
    return %c0_i32 : i32
  }
  func.func @transform_3(%arg0: i32) -> (i32, i32) {
    %c0_i32 = arith.constant 0 : i32
    %c0_i32_0 = arith.constant 0 : i32
    %c0_i32_1 = arith.constant 0 : i32
    return %c0_i32, %c0_i32_0 : i32, i32
  }
  func.func @transform_4(%arg0: i32) -> i32 {
    %c0_i32 = arith.constant 0 : i32
    %c0_i32_0 = arith.constant 0 : i32
    return %c0_i32 : i32
  }
  func.func @transform_5(%arg0: i32) -> (i32, i32) {
    %c0_i32 = arith.constant 0 : i32
    %c0_i32_0 = arith.constant 0 : i32
    %c0_i32_1 = arith.constant 0 : i32
    return %c0_i32, %c0_i32_0 : i32, i32
  }
  func.func @transform_6(%arg0: i32) -> i32 {
    %c0_i32 = arith.constant 0 : i32
    return %arg0 : i32
  }
}

module attributes {stable_mosaic.version = 14 : i64} {
  func.func @_decoder_body(%arg0: i32, %arg1: memref<1024x128xf32, #tpu.memory_space<vmem>>, %arg2: memref<400x64xf32, #tpu.memory_space<vmem>>, %arg3: memref<400xf32, #tpu.memory_space<vmem>>, %arg4: memref<768x400xf32, #tpu.memory_space<vmem>>, %arg5: memref<768xf32, #tpu.memory_space<vmem>>, %arg6: memref<1024x768xf32, #tpu.memory_space<vmem>>, %arg7: memref<128x400xf32, #tpu.memory_space<vmem>>, %arg8: memref<400x768xf32, #tpu.memory_space<vmem>>) attributes {dimension_semantics = [#tpu.dimension_semantics<arbitrary>], iteration_bounds = array<i64: 2>, scalar_prefetch = 0 : i64, scratch_operands = 2 : i64, tpu.core_type = #tpu.core_type<tc>, window_params = [{transform_indices = @transform_0, window_bounds = array<i64: 1024, 128>}, {pipeline_mode = #tpu.pipeline_mode<synchronous>, transform_indices = @transform_1, window_bounds = array<i64: 400, 64>}, {pipeline_mode = #tpu.pipeline_mode<synchronous>, transform_indices = @transform_2, window_bounds = array<i64: 400>}, {pipeline_mode = #tpu.pipeline_mode<synchronous>, transform_indices = @transform_3, window_bounds = array<i64: 768, 400>}, {pipeline_mode = #tpu.pipeline_mode<synchronous>, transform_indices = @transform_4, window_bounds = array<i64: 768>}, {transform_indices = @transform_5, window_bounds = array<i64: 1024, 768>}]} {
    %eq3A = arith.constant 0 : i32
    %eq3A_0 = arith.cmpi eq, %arg0, %eq3A : i32
    %convert_element_type3A = arith.extui %eq3A_0 : i1 to i32
    %cond3A = arith.constant 0 : i32
    %cond3A_1 = arith.cmpi ne, %convert_element_type3A, %cond3A : i32
    scf.if %cond3A_1 {
      %get3A_30 = arith.constant 0 : index
      %get3A_31 = arith.constant 0 : index
      %get3A_32 = vector.load %arg2[%get3A_30, %get3A_31] : memref<400x64xf32, #tpu.memory_space<vmem>>, vector<400x64xf32>
      %transpose3A = tpu.transpose %get3A_32, [1, 0] : vector<400x64xf32> -> vector<64x400xf32>
      %broadcast_in_dim3A_33 = arith.constant 0.000000e+00 : f32
      %broadcast_in_dim3A_34 = vector.broadcast %broadcast_in_dim3A_33 : f32 to vector<64x400xf32>
      %concatenate3A = tpu.concatenate %transpose3A, %broadcast_in_dim3A_34 in 0 : vector<64x400xf32>, vector<64x400xf32> -> vector<128x400xf32>
      %swap3A_35 = arith.constant 0 : index
      %swap3A_36 = arith.constant 0 : index
      %swap3A_37 = vector.load %arg7[%swap3A_35, %swap3A_36] : memref<128x400xf32, #tpu.memory_space<vmem>>, vector<128x400xf32>
      tpu.vector_store %arg7[%swap3A_35, %swap3A_36], %concatenate3A {strides = array<i32>} : memref<128x400xf32, #tpu.memory_space<vmem>>, vector<128x400xf32>,
      %get3A_38 = arith.constant 0 : index
      %get3A_39 = arith.constant 0 : index
      %get3A_40 = vector.load %arg4[%get3A_38, %get3A_39] : memref<768x400xf32, #tpu.memory_space<vmem>>, vector<768x400xf32>
      %transpose3A_41 = tpu.transpose %get3A_40, [1, 0] : vector<768x400xf32> -> vector<400x768xf32>
      %swap3A_42 = arith.constant 0 : index
      %swap3A_43 = arith.constant 0 : index
      %swap3A_44 = vector.load %arg8[%swap3A_42, %swap3A_43] : memref<400x768xf32, #tpu.memory_space<vmem>>, vector<400x768xf32>
      tpu.vector_store %arg8[%swap3A_42, %swap3A_43], %transpose3A_41 {strides = array<i32>} : memref<400x768xf32, #tpu.memory_space<vmem>>, vector<400x768xf32>,
    } else {
    }
    %get3A = arith.constant 0 : index
    %get3A_2 = arith.constant 0 : index
    %get3A_3 = vector.load %arg1[%get3A, %get3A_2] : memref<1024x128xf32, #tpu.memory_space<vmem>>, vector<1024x128xf32>
    %get3A_4 = arith.constant 0 : index
    %get3A_5 = arith.constant 0 : index
    %get3A_6 = vector.load %arg7[%get3A_4, %get3A_5] : memref<128x400xf32, #tpu.memory_space<vmem>>, vector<128x400xf32>
    %dot_general3A = arith.constant dense<0.000000e+00> : vector<1024x400xf32>
    %dot_general3A_7 = tpu.matmul %get3A_3, %get3A_6, %dot_general3A {dimension_numbers = #tpu.dot_dimension_numbers<[1], [0], [0], [1], [0, 0, 1, 1], [], []>, transpose_lhs_hint = false} : vector<1024x128xf32>, vector<128x400xf32>, vector<1024x400xf32> -> vector<1024x400xf32>
    %get3A_8 = arith.constant 0 : index
    %get3A_9 = vector.load %arg3[%get3A_8] : memref<400xf32, #tpu.memory_space<vmem>>, vector<400xf32>
    %broadcast_in_dim3A = vector.shape_cast %get3A_9 : vector<400xf32> to vector<1x400xf32>
    %add3A = vector.broadcast %broadcast_in_dim3A : vector<1x400xf32> to vector<1024x400xf32>
    %add3A_10 = arith.addf %dot_general3A_7, %add3A : vector<1024x400xf32>
    %max3A = arith.constant 0.000000e+00 : f32
    %max3A_11 = vector.broadcast %max3A : f32 to vector<1024x400xf32>
    %max3A_12 = arith.maximumf %add3A_10, %max3A_11 : vector<1024x400xf32>
    %get3A_13 = arith.constant 0 : index
    %get3A_14 = arith.constant 0 : index
    %get3A_15 = vector.load %arg8[%get3A_13, %get3A_14] : memref<400x768xf32, #tpu.memory_space<vmem>>, vector<400x768xf32>
    %dot_general3A_16 = arith.constant dense<0.000000e+00> : vector<1024x768xf32>
    %dot_general3A_17 = tpu.matmul %max3A_12, %get3A_15, %dot_general3A_16 {dimension_numbers = #tpu.dot_dimension_numbers<[1], [0], [0], [1], [0, 0, 1, 1], [], []>, transpose_lhs_hint = false} : vector<1024x400xf32>, vector<400x768xf32>, vector<1024x768xf32> -> vector<1024x768xf32>
    %get3A_18 = arith.constant 0 : index
    %get3A_19 = vector.load %arg5[%get3A_18] : memref<768xf32, #tpu.memory_space<vmem>>, vector<768xf32>
    %broadcast_in_dim3A_20 = vector.shape_cast %get3A_19 : vector<768xf32> to vector<1x768xf32>
    %add3A_21 = vector.broadcast %broadcast_in_dim3A_20 : vector<1x768xf32> to vector<1024x768xf32>
    %add3A_22 = arith.addf %dot_general3A_17, %add3A_21 : vector<1024x768xf32>
    %logistic3A = arith.negf %add3A_22 : vector<1024x768xf32>
    %logistic3A_23 = math.exp %logistic3A : vector<1024x768xf32>
    %logistic3A_24 = arith.constant 1.000000e+00 : f32
    %logistic3A_25 = vector.broadcast %logistic3A_24 : f32 to vector<1024x768xf32>
    %logistic3A_26 = arith.addf %logistic3A_25, %logistic3A_23 : vector<1024x768xf32>
    %logistic3A_27 = arith.divf %logistic3A_25, %logistic3A_26 : vector<1024x768xf32>
    %swap3A = arith.constant 0 : index
    %swap3A_28 = arith.constant 0 : index
    %swap3A_29 = vector.load %arg6[%swap3A, %swap3A_28] : memref<1024x768xf32, #tpu.memory_space<vmem>>, vector<1024x768xf32>
    tpu.vector_store %arg6[%swap3A, %swap3A_28], %logistic3A_27 {strides = array<i32>} : memref<1024x768xf32, #tpu.memory_space<vmem>>, vector<1024x768xf32>,
    return
  }
  func.func @transform_0(%arg0: i32) -> (i32, i32) {
    %c0_i32 = arith.constant 0 : i32
    %c0_i32_0 = arith.constant 0 : i32
    return %arg0, %c0_i32 : i32, i32
  }
  func.func @transform_1(%arg0: i32) -> (i32, i32) {
    %c0_i32 = arith.constant 0 : i32
    %c0_i32_0 = arith.constant 0 : i32
    %c0_i32_1 = arith.constant 0 : i32
    return %c0_i32, %c0_i32_0 : i32, i32
  }
  func.func @transform_2(%arg0: i32) -> i32 {
    %c0_i32 = arith.constant 0 : i32
    %c0_i32_0 = arith.constant 0 : i32
    return %c0_i32 : i32
  }
  func.func @transform_3(%arg0: i32) -> (i32, i32) {
    %c0_i32 = arith.constant 0 : i32
    %c0_i32_0 = arith.constant 0 : i32
    %c0_i32_1 = arith.constant 0 : i32
    return %c0_i32, %c0_i32_0 : i32, i32
  }
  func.func @transform_4(%arg0: i32) -> i32 {
    %c0_i32 = arith.constant 0 : i32
    %c0_i32_0 = arith.constant 0 : i32
    return %c0_i32 : i32
  }
  func.func @transform_5(%arg0: i32) -> (i32, i32) {
    %c0_i32 = arith.constant 0 : i32
    %c0_i32_0 = arith.constant 0 : i32
    return %arg0, %c0_i32 : i32, i32
  }
}

</mosaic_0001>

<sc_bundles>
// kernel: kernel.5.cloned.1.call-start
scs
__scs_entry_jumppad:
0x0: {  	(pc) =	sbr.rel $0x88, $3  }
0x1: {  	(tag) =	ssettag $0x0;
	lr =	simm.s32 $0x1  }
0x2: {  	[smem:$0x3F97] =	sst lr;
	_ =	strace $0xD0000000  }
0x3: {  	_ = 	snop  }
0x4: {  	_ = 	snop  }
0x5: {  	_ = 	snop  }
0x6: {  	_ = 	snop  }
0x7: {  	_ = 	snop  }
__scs_overlays_trampoline_lowered:
0x8: {  	[smem:$0x3FA6] =	sst s0  }
0x9: {  	[smem:$0x3FA7] =	sst s1  }
0xa: {  	[smem:$0x3FA8] =	sst s2  }
0xb: {  	[smem:$0x3FA9] =	sst s3  }
0xc: {  	[smem:$0x3FAA] =	sst s4  }
0xd: {  	[smem:$0x3FAB] =	sst s5  }
0xe: {  	[smem:$0x3FAC] =	sst s6  }
0xf: {  	[smem:$0x3FAD] =	sst s7  }
0x10: {  	[smem:$0x3FAE] =	sst s8  }
0x11: {  	[smem:$0x3FAF] =	sst s9;
	s0 =	simm.s32 @!p0 $0x0  }
0x12: {  	s1 =	sld [smem:$0x3F95];
	s0 =	simm.s32 @p0 $0x1  }
0x13: {  	[smem:$0x3FB0] =	sst s0;
	s0 =	simm.s32 @!p1 $0x0  }
0x14: {  	s2 =	sld [smem:$0x3F94];
	s0 =	simm.s32 @p1 $0x1  }
0x15: {  	[smem:$0x3FB1] =	sst s0;
	s0 =	simm.s32 @!p2 $0x0  }
0x16: {  	s3 =	sld [smem:$0x3FDB];
	s0 =	simm.s32 @p2 $0x1  }
0x17: {  	s4 =	simm.s32 $0x1BF5;
	[smem:$0x3FB3] =	sst s0  }
0x18: {  	s0 =	sld [smem:$0x3F96];
	_ =	swait.ge [sflag:s4], $0x0  }
0x19: {  	s7 =	sld [smem:$0x3F97]  }
0x1a: {  	s8 =	sadd.s32 $0xFFFFE003, lr  }
0x1b: {  	s9 =	sadd.s32 $0xFFFFFEF7, lr;
	s5 =	simm.s32 $0xFFFFFFFF;
	p2 =	slt.u32 s8, $0xFFFFF086  }
0x1c: {  	p1 =	slt.u32 s9, $0xF7A;
	s5 =	simm.s32 @!p2 $0x0  }
0x1d: {  	s5 =	simm.s32 @p1 $0x1;
	p0 =	seq.s32 s7, s2  }
0x1e: {  	s7 =	smul.u32 @!p0 $0xF7A, s2;
	p2 =	seq.s32 @!p0 s5, $0x0  }
0x1f: {  	s9 =	smul.u32 $0xF7A, s1;
	s8 =	simm.s32 @!p0 $0x1BF5;
	p2 =	por !p2, p0  }
0x20: {  	[sflag:s8] =	ssyncset.s32 @!p0 $0xFFFFF086;
	s6 =	sadd.s32 @!p0 s3, s7;
	s7 =	simm.s32 @!p0 $0x108  }
0x21: {  	s3 =	sadd.s32 s3, s9;
	s6 =	sadd.s32 @!p0 $0x88, s6;
	s7 =	simm.s32 @p2 $0x1082  }
0x22: {  	[simem:s7], [sflag:s8] =	dma.local @!p0 [hbm:s6], $0xF7A  }
0x23: {  	s9 =	sor.u32 $0xD0000000, s2;
	s6 =	simm.s32 $0x108;
	_ =	swait.ge @!p0 [sflag:s8], $0x0  }
0x24: {  	s3 =	sadd.s32 $0x88, s3;
	s6 =	simm.s32 @!p1 $0x1082;
	[sflag:s4] =	ssyncset.s32 $0xFFFFF086  }
0x25: {  	[simem:s6], [sflag:s4] =	dma.local [hbm:s3], $0xF7A  }
0x26: {  	[smem:$0x3F97] =	sst s1;
	(tag) =	ssettag s2;
	_ =	strace s9  }
0x27: {  	s1 =	sld [smem:$0x3FA7]  }
0x28: {  	s2 =	sld [smem:$0x3FA8]  }
0x29: {  	s4 =	sld [smem:$0x3FAA]  }
0x2a: {  	p0 =	seq.s32 s5, $0x0;
	s5 =	sld [smem:$0x3FAB]  }
0x2b: {  	s6 =	sld [smem:$0x3FAC]  }
0x2c: {  	s7 =	sld [smem:$0x3FAD]  }
0x2d: {  	s3 =	simm.s32 $0x108;
	s8 =	sld [smem:$0x3FAE]  }
0x2e: {  	s3 =	simm.s32 @!p0 $0x1082;
	s9 =	sld [smem:$0x3FAF]  }
0x2f: {  	lr =	sadd.s32 s0, s3;
	s0 =	sld [smem:$0x3FA6]  }
0x30: {  	s3 =	sld [smem:$0x3FA9]  }
0x31: {  	[smem:$0x3FB2] =	sst s10  }
0x32: {  	s10 =	sld [smem:$0x3FB0];
	_ =	sdelay $0x3  }
0x33: {  	p0 =	seq.s32 s10, $0x1;
	s10 =	sld [smem:$0x3FB2];
	_ =	sdelay $0x3  }
0x34: {  	[smem:$0x3FB2] =	sst s10  }
0x35: {  	s10 =	sld [smem:$0x3FB1];
	_ =	sdelay $0x3  }
0x36: {  	p1 =	seq.s32 s10, $0x1;
	s10 =	sld [smem:$0x3FB2];
	_ =	sdelay $0x3  }
0x37: {  	[smem:$0x3FB2] =	sst s10  }
0x38: {  	s10 =	sld [smem:$0x3FB3]  }
0x39: {  	_ = 	snop;
	(pc) =	sbr.ind lr, $3  }
0x3a: {  	_ = 	snop  }
0x3b: {  	_ = 	snop  }
0x3c: {  	p2 =	seq.s32 s10, $0x1;
	s10 =	sld [smem:$0x3FB2]  }
0x3d: {  	_ =	shalt  }
0x3e: {  	_ =	shalt  }
0x3f: {  	_ =	shalt  }
0x40: {  	_ =	shalt  }
0x41: {  	_ =	shalt  }
0x42: {  	_ =	shalt  }
0x43: {  	_ =	shalt  }
0x44: {  	_ =	shalt  }
0x45: {  	_ =	shalt  }
0x46: {  	_ =	shalt  }
0x47: {  	_ =	shalt  }
0x48: {  	_ =	shalt  }
0x49: {  	_ =	shalt  }
0x4a: {  	_ =	shalt  }
0x4b: {  	_ =	shalt  }
0x4c: {  	_ =	shalt  }
0x4d: {  	_ =	shalt  }
0x4e: {  	_ =	shalt  }
0x4f: {  	_ =	shalt  }
0x50: {  	_ =	shalt  }
0x51: {  	_ =	shalt  }
0x52: {  	_ =	shalt  }
0x53: {  	_ =	shalt  }
0x54: {  	_ =	shalt  }
0x55: {  	_ =	shalt  }
0x56: {  	_ =	shalt  }
0x57: {  	_ =	shalt  }
0x58: {  	_ =	shalt  }
0x59: {  	_ =	shalt  }
0x5a: {  	_ =	shalt  }
0x5b: {  	_ =	shalt  }
0x5c: {  	_ =	shalt  }
0x5d: {  	_ =	shalt  }
0x5e: {  	_ =	shalt  }
0x5f: {  	_ =	shalt  }
0x60: {  	_ =	shalt  }
0x61: {  	_ =	shalt  }
0x62: {  	_ =	shalt  }
0x63: {  	_ =	shalt  }
0x64: {  	_ =	shalt  }
0x65: {  	_ =	shalt  }
0x66: {  	_ =	shalt  }
0x67: {  	_ =	shalt  }
0x68: {  	_ =	shalt  }
0x69: {  	_ =	shalt  }
0x6a: {  	_ =	shalt  }
0x6b: {  	_ =	shalt  }
0x6c: {  	_ =	shalt  }
0x6d: {  	_ =	shalt  }
0x6e: {  	_ =	shalt  }
0x6f: {  	_ =	shalt  }
0x70: {  	_ =	shalt  }
0x71: {  	_ =	shalt  }
0x72: {  	_ =	shalt  }
0x73: {  	_ =	shalt  }
0x74: {  	_ =	shalt  }
0x75: {  	_ =	shalt  }
0x76: {  	_ =	shalt  }
0x77: {  	_ =	shalt  }
0x78: {  	_ =	shalt  }
0x79: {  	_ =	shalt  }
0x7a: {  	_ =	shalt  }
0x7b: {  	_ =	shalt  }
0x7c: {  	_ =	shalt  }
0x7d: {  	_ =	shalt  }
0x7e: {  	_ =	shalt  }
0x7f: {  	_ =	shalt  }
0x80: {  	_ =	shalt  }
0x81: {  	_ =	shalt  }
0x82: {  	_ =	shalt  }
0x83: {  	_ =	shalt  }
0x84: {  	_ =	shalt  }
0x85: {  	_ =	shalt  }
0x86: {  	_ =	shalt  }
0x87: {  	_ =	shalt  }
.Lfunc_end0:
.L_simem_size_0:
called_computation_lowered:
.L_overlay_start_0:
0x88: {  	s2 =	sld [smem:$0x3FD9]  }
0x89: {  	s3 =	sld [smem:$0x3FFE];
	_ =	sdelay $0x1  }
0x8a: {  	s1 =	srdreg.scid  }
0x8b: {  	s0 =	sand.u32 $0x1, s1  }
0x8c: {  	s17 =	sshll.u32 s0, $0xA;
	s2 =	sadd.s32 s3, s2  }
0x8d: {  	s2 =	sadd.s32 s2, s17  }
0x8e: {  	[smem:$0x3FBE] =	sst s2  }
0x8f: {  	_ = 	snop  }
0x90: {  	s2 =	sld [smem:$0x3FD0];
	(tm) =	ssettm $0x1  }
0x91: {  	s18 =	sld [smem:$0x3FFB];
	_ =	sdelay $0x3  }
0x92: {  	_ =	strace s18  }
0x93: {  	s3 =	sld [smem:$0x3FFC];
	_ =	sdelay $0x3  }
0x94: {  	_ =	strace s3  }
0x95: {  	s3 =	sld [smem:$0x3FFD];
	_ =	sdelay $0x3  }
0x96: {  	_ =	strace s3  }
0x97: {  	_ =	strace $0x8FFFFFFF  }
0x98: {  	s19 =	sld [smem:$0x3FDB];
	_ =	sdelay $0x1  }
0x99: {  	s4 =	simm.s32 $_scs_section_size  }
0x9a: {  	s5 =	simm.s32 $_size__tile_overlayer_lowered;
	s6 =	simm.s32 $_tile_overlayer_lowered  }
0x9b: {  	s22 =	simm.s32 $0x1BFF;
	s21 =	sshll.u32 s6, $0x1;
	s3 =	sadd.s32 s4, s19  }
0x9c: {  	s7 =	simm.s32 $0x0;
	s20 =	sshll.u32 s5, $0x1;
	s5 =	sadd.s32 s21, s3  }
0x9d: {  	[timem:s7], [sflag:s22] =	dma.local [hbm:s5], s20  }
0x9e: {  	_ =	swait.ge [sflag:s22], s20  }
0x9f: {  	s4 =	ssub.s32 $0x0, s20;
	[sflag:s22] =	ssyncset.done $0x0  }
0xa0: {  	[sflag:s22] =	ssyncadd.s32 s4;
	_ =	sdelay $0x1  }
0xa1: {  	s23 =	simm.s32 $0x1B8B  }
0xa2: {  	_ =	swait.ge [sflag:s23], $0x1  }
0xa3: {  	[sflag:s23] =	ssyncset.done $0x0  }
0xa4: {  	s25 =	simm.s32 $0x1B8E;
	s24 =	sld [smem:$0x3FFE];
	[sflag:s23] =	ssyncadd.s32 $0xFFFFFFFF  }
0xa5: {  	s26 =	simm.s32 $execute0_lowered;
	[smem:$0x3FD2] =	sst s25  }
0xa6: {  	s5 =	sshll.u32 s26, $0x1;
	_ =	strace $0x80000046;
	[dreg:$0x1] =	wrdreg $0xFFFFFFFF  }
0xa7: {  	s28 =	simm.s32 $_size_execute0_lowered;
	s3 =	sadd.s32 s3, s5;
	[dreg:$0x0] =	wrdreg $0x0  }
0xa8: {  	s5 =	sshll.u32 s28, $0x1;
	[dreg:$0x2] =	wrdreg s3  }
0xa9: {  	[dreg:$0x3] =	wrdreg s5  }
0xaa: {  	[dreg:$0x4] =	wrdreg $0xC0  }
0xab: {  	_ =	task [dreg:s7], $0x5FFFF  }
0xac: {  	[dreg:$0x1] =	wrdreg $0xFFFFFFFF  }
0xad: {  	[dreg:$0x0] =	wrdreg $0x60  }
0xae: {  	[dreg:$0x2] =	wrdreg s24  }
0xaf: {  	[dreg:$0x3] =	wrdreg s2  }
0xb0: {  	[dreg:$0x4] =	wrdreg $0x20800  }
0xb1: {  	[dreg:$0x5] =	wrdreg $0x9  }
0xb2: {  	_ =	task.clear_ibuf [dreg:s7], $0x6FFFF;
	_ =	strace $0x90000046  }
0xb3: {  	s29 =	simm.s32 $0x9;
	_ =	strace $0x80000048  }
0xb4: {  	_ =	swait.ge [sflag:s29], $0x1  }
0xb5: {  	[sflag:s29] =	ssyncadd.s32 $0xFFFFFFFF  }
0xb6: {  	_ =	strace $0x90000048  }
0xb7: {  	_ =	sfence  }
0xb8: {  	s30 =	sld [smem:$0x0];
	_ =	sdelay $0x2  }
0xb9: {  	s31 =	sshll.u32 s1, $0xD;
	s1 =	sshrl.u32 s1, $0x2  }
0xba: {  	s3 =	sand.u32 $0x4000, s31;
	s1 =	sadd.s32 s1, s30  }
0xbb: {  	s0 =	sor.u32 s3, s0;
	s1 =	sshll.u32 s1, $0x11  }
0xbc: {  	s0 =	sor.u32 s1, s0  }
0xbd: {  	s0 =	sadd.s32 $0x8F2B, s0  }
0xbe: {  	[sflag:s0] =	ssyncadd.remote.s32 $0x1  }
0xbf: {  	_ =	sfence.sel $0xFFFF  }
0xc0: {  	[dreg:$0x0] =	wrdreg $0xFFFFFFFF;
	(pc) =	sbr.abs _section_cstart, $3  }
0xc1: {  	[dreg:$0x1] =	wrdreg $0xFFFFFFFF  }
0xc2: {  	_ =	task.clear_ibuf [dreg:s7], $0x2FFFF;
	_ =	strace $0x9FFFFFFF  }
0xc3: {  	(tm) =	ssettm $0x7FFFFFFF  }
tec
execute0_lowered:
.L_overlay_start_1:
0x0: {  	(tag) =	ssettag $0x1  }
0x1: {  	s0 =	srdreg.scid  }
0x2: {  	s5 =	rddreg [dreg:$0x0];
	s6 =	stileid.u32;
	s9 =	sand.u32 $0x1, s0  }
0x3: {  	s12 =	rddreg [dreg:$0x1];
	s31 =	sshll.u32 s6, $0x7;
	s2 =	sshll.u32 s9, $0x6  }
0x4: {  	s1 =	rddreg [dreg:$0x2];
	s13 =	sor.u32 s2, s31  }
0x5: {  	s0 =	rddreg [dreg:$0x3];
	s2 =	simm.s32 $0x0;
	s3 =	sshrl.u32 s13, $0x3  }
0x6: {  	p0 =	sne.s32 s6, $0x0;
	[smem:$0x7FF] =	sst s2;
	s3 =	sadd.s32 s3, s5  }
0x7: {  	_ =	strace $0x80000047;
	s4 =	sadd.s32 $0x5A00, s3;
	s3 =	simm.s32 $0x2  }
0x8: {  	[tilespmem:s2], [sflag:$0x2] =	stream.linear.gather [hbm4b:s4+s2], $0x40, $0x38;
	[tilespmem:$0x4080] =	vst v63  }
0x9: {  	s10 =	simm.s32 $0x80;
	s6 =	sshrl.u32 @!p0 s1, $0x3;
	_ =	swait.ge [sflag:s3], $0x40  }
0xa: {  	s7 =	simm.s32 @!p0 $0x1C02;
	s8 =	simm.s32 @!p0 $0x2;
	[sflag:s3] =	ssyncset.done $0x0  }
0xb: {  	s14 =	ssub.s32 $0x2, s9;
	s5 =	sadd.s32 $0x1A00, s5;
	[sflag:s3] =	ssyncadd.s32 $0xFFFFFFC0  }
0xc: {  	[spmem:s6], [sflag:s7] =	dma.local @!p0 [hbm:s5], $0x4000  }
0xd: {  	s11 =	simm.s32 $0x1;
	s15 =	sshrl.u32 s14, $0x1;
	_ =	swait.ge @!p0 [sflag:s8], $0x4000  }
0xe: {  	s9 =	simm.s32 $0x40;
	s14 =	ssub.s32 s14, s15;
	[sflag:s8] =	ssyncset.done @!p0 $0x0  }
0xf: {  	s13 =	sshll.u32 s13, $0x4;
	s14 =	smax.u32 s14, $0x1;
	[sflag:s8] =	ssyncadd.s32 @!p0 $0xFFFFC000  }
0x10: {  	s12 =	sadd.s32 s12, s13;
	s13 =	sadd.s32 $0xFFFFFFFF, s14;
	[bflag:$0x0] =	sbarrier.arrive $0xFFFF  }
0x11: {  	[tilespmem:s10], [sflag:$0x1] =	stream.indirect.gather [spmem:s1], $0x80, s2, s9, $0xb8;
	[tilespmem:$0x4080] =	vst v63  }
0x12: {  	p1 =	sne.s32 s13, $0x0;
	_ =	swait.ge [sflag:s11], $0x2000  }
.Ltmp0:
0x13: {  	[sflag:s11] =	ssyncset.done $0x0;
	(pc) =	sbr.rel @!p1 .LBB2_2-.Ltmp0, $4  }
0x14: {  	[sflag:s11] =	ssyncadd.s32 $0xFFFFE000  }
0x15: {  	[hbm4b:s12+s2] =	stream.linear.scatter [tilespmem:s10], [sflag:$0x2], $0x2000, $0x38;
	[tilespmem:$0x4080] =	vst v63  }
0x16: {  	_ =	swait.ge [sflag:s3], $0x2000  }
0x17: {  	[sflag:s3] =	ssyncset.done $0x0  }
.LBB2_1:
0x18: {  	s13 =	sadd.s32 $0xFFFFFFFF, s13;
	[sflag:s3] =	ssyncadd.s32 $0xFFFFE000  }
0x19: {  	[tilespmem:s2], [sflag:$0x2] =	stream.linear.gather [hbm4b:s4+s2], $0x40, $0x38;
	[tilespmem:$0x4080] =	vst v63  }
0x1a: {  	p1 =	sne.s32 s13, $0x0;
	_ =	swait.ge [sflag:s3], $0x40  }
0x1b: {  	[sflag:s3] =	ssyncset.done $0x0  }
0x1c: {  	[sflag:s3] =	ssyncadd.s32 $0xFFFFFFC0  }
0x1d: {  	[spmem:s6], [sflag:s7] =	dma.local @!p0 [hbm:s5], $0x4000  }
0x1e: {  	_ =	swait.ge @!p0 [sflag:s8], $0x4000  }
0x1f: {  	[sflag:s8] =	ssyncset.done @!p0 $0x0  }
0x20: {  	[sflag:s8] =	ssyncadd.s32 @!p0 $0xFFFFC000  }
0x21: {  	[bflag:$0x0] =	sbarrier.arrive $0xFFFF  }
0x22: {  	[tilespmem:s10], [sflag:$0x1] =	stream.indirect.gather [spmem:s1], $0x80, s2, s9, $0xb8;
	[tilespmem:$0x4080] =	vst v63  }
0x23: {  	_ =	swait.ge [sflag:s11], $0x2000  }
.Ltmp1:
0x24: {  	[sflag:s11] =	ssyncset.done $0x0;
	(pc) =	sbr.rel @p1 .LBB2_1-.Ltmp1, $4  }
0x25: {  	[sflag:s11] =	ssyncadd.s32 $0xFFFFE000  }
0x26: {  	[hbm4b:s12+s2] =	stream.linear.scatter [tilespmem:s10], [sflag:$0x2], $0x2000, $0x38;
	[tilespmem:$0x4080] =	vst v63  }
0x27: {  	_ =	swait.ge [sflag:s3], $0x2000  }
0x28: {  	[sflag:s3] =	ssyncset.done $0x0  }
.LBB2_2:
0x29: {  	[sflag:s3] =	ssyncadd.s32 $0xFFFFE000  }
0x2a: {  	_ =	sfence.sel $0x180000  }
0x2b: {  	[bflag:$0x0] =	sbarrier.arrive $0xFFFF  }
0x2c: {  	_ =	strace $0x90000047  }
0x2d: {  	s0 =	sadd.s32 @!p0 $0x100000, s0;
	[bflag:$0x2] =	sbarrier.arrive $0xFFFF  }
0x2e: {  	[sflag:s0] =	ssyncadd.tile.s32 @!p0 $0x1;
	_ =	shalt  }
.Lfunc_end2:
_tile_overlayer_lowered:
.L_overlay_start_2:
0x2f: {  	(tag) =	ssettag $0x2  }
0x30: {  	s0 =	rddreg [dreg:$0x0];
	s2 =	stileid.u32  }
0x31: {  	s1 =	rddreg [dreg:$0x1];
	p0 =	sne.s32 s2, $0x0  }
0x32: {  	s3 =	rddreg [dreg:$0x2];
	[bflag:$0x3] =	sbarrier.arrive $0xFFFF;
	s2 =	simm.s32 @!p0 $0x1C02  }
0x33: {  	[timem:s3], [sflag:s2] =	dma.local @!p0 [hbm:s0], s1  }
0x34: {  	s0 =	simm.s32 @!p0 $0x2  }
0x35: {  	_ =	swait.ge @!p0 [sflag:s0], s1  }
0x36: {  	s1 =	ssub.s32 @!p0 $0x0, s1;
	[sflag:s0] =	ssyncset.done @!p0 $0x0  }
0x37: {  	[sflag:s0] =	ssyncadd.s32 @!p0 s1  }
0x38: {  	[bflag:$0x3] =	sbarrier.arrive $0xFFFF  }
0x39: {  	_ =	shalt  }

</sc_bundles>
